<compile_context>
chip_gen: v7x
topology: tpu7x:2x2x1
jax: 0.10.2.dev20260603
libtpu: 0.0.44.dev20260713+nightly
codegen_flags: <defaults>
</compile_context>

<pallas_src>
import functools

import jax
import jax.numpy as jnp
from jax import lax
from jax.experimental import pallas as pl
from jax.experimental.pallas import tpu as pltpu
from jax.experimental.pallas import tpu_sc as plsc

_CUTOFF = 5.0
_L = 16
_NC = 2
_NS = 16
_NW = _NC * _NS
_CHUNK = 800

_PI = 3.141592653589793
_A0 = 0.5
_A1 = -0.5 / 6.0
_A2 = 0.5 / 120.0
_A3 = -0.5 / 5040.0
_A4 = 0.5 / 362880.0


@functools.lru_cache(maxsize=None)
def _make_kernel(E_in: int, E_f: int):
    per_w = E_f // _NW
    steps = per_w // _CHUNK
    assert per_w * _NW == E_f and steps * _CHUNK == per_w

    mesh = plsc.VectorSubcoreMesh(
        core_axis_name="c", subcore_axis_name="s",
        num_cores=_NC, num_subcores=_NS)

    @functools.partial(
        pl.kernel,
        out_type=(
            jax.ShapeDtypeStruct((E_f,), jnp.float32),
            jax.ShapeDtypeStruct((E_f,), jnp.float32),
            jax.ShapeDtypeStruct((E_f,), jnp.float32),
            jax.ShapeDtypeStruct((E_f,), jnp.float32),
            jax.ShapeDtypeStruct((E_f,), jnp.float32),
            jax.ShapeDtypeStruct((E_f,), jnp.int32),
        ),
        mesh=mesh,
        scratch_types=[
            pltpu.VMEM((_CHUNK,), jnp.int32),
            pltpu.VMEM((_CHUNK,), jnp.int32),
            pltpu.VMEM((_CHUNK,), jnp.float32),
            pltpu.VMEM((_CHUNK,), jnp.float32),
            pltpu.VMEM((_CHUNK,), jnp.float32),
            pltpu.VMEM((_CHUNK,), jnp.float32),
            pltpu.VMEM((_CHUNK,), jnp.float32),
            pltpu.VMEM((_CHUNK,), jnp.int32),
            pltpu.SemaphoreType.DMA,
        ],
    )
    def k(t0_hbm, t1_hbm, t2_hbm, dist_hbm, idx_hbm,
          p0_hbm, p1_hbm, p2_hbm, distf_hbm, sw_hbm, msk_hbm,
          idx_raw, idx_c, g0, g1, g2, gd, sw_v, msk_v, sem):
        wid = lax.axis_index("s") * _NC + lax.axis_index("c")
        base0 = wid * per_w

        def step(s, carry):
            base = base0 + s * _CHUNK
            pltpu.sync_copy(idx_hbm.at[pl.ds(base, _CHUNK)], idx_raw)

            def clamp(t, c):
                off = t * _L
                iv = idx_raw[pl.ds(off, _L)]
                idx_c[pl.ds(off, _L)] = jnp.minimum(iv, E_in - 1)
                return c
            lax.fori_loop(0, _CHUNK // _L, clamp, 0)

            c0 = pltpu.async_copy(t0_hbm.at[idx_c], g0, sem)
            c1 = pltpu.async_copy(t1_hbm.at[idx_c], g1, sem)
            c2 = pltpu.async_copy(t2_hbm.at[idx_c], g2, sem)
            cd = pltpu.async_copy(dist_hbm.at[idx_c], gd, sem)
            c0.wait()
            c1.wait()
            c2.wait()
            cd.wait()

            def compute(t, c):
                off = t * _L
                iv = idx_raw[pl.ds(off, _L)]
                valid = iv < E_in
                dg = gd[pl.ds(off, _L)]
                df = jnp.where(valid, dg, _CUTOFF)
                mask = df < _CUTOFF
                u = (df * (1.0 / _CUTOFF) - 0.5) * _PI
                u2 = u * u
                p = _A4 * u2 + _A3
                p = p * u2 + _A2
                p = p * u2 + _A1
                p = p * u2 + _A0
                sw = jnp.where(mask, 0.5 - u * p, 0.0)
                gd[pl.ds(off, _L)] = df
                sw_v[pl.ds(off, _L)] = sw
                msk_v[pl.ds(off, _L)] = jnp.where(mask, 1, 0)
                g0[pl.ds(off, _L)] = jnp.where(valid, g0[pl.ds(off, _L)], _CUTOFF)
                g1[pl.ds(off, _L)] = jnp.where(valid, g1[pl.ds(off, _L)], _CUTOFF)
                g2[pl.ds(off, _L)] = jnp.where(valid, g2[pl.ds(off, _L)], _CUTOFF)
                return c
            lax.fori_loop(0, _CHUNK // _L, compute, 0)

            pltpu.sync_copy(g0, p0_hbm.at[pl.ds(base, _CHUNK)])
            pltpu.sync_copy(g1, p1_hbm.at[pl.ds(base, _CHUNK)])
            pltpu.sync_copy(g2, p2_hbm.at[pl.ds(base, _CHUNK)])
            pltpu.sync_copy(gd, distf_hbm.at[pl.ds(base, _CHUNK)])
            pltpu.sync_copy(sw_v, sw_hbm.at[pl.ds(base, _CHUNK)])
            pltpu.sync_copy(msk_v, msk_hbm.at[pl.ds(base, _CHUNK)])
            return carry

        lax.fori_loop(0, steps, step, 0)

    return k


def kernel(vec, distances, filter_indices):
    E_in = vec.shape[0]
    E_f = filter_indices.shape[0]
    p0, p1, p2, dist_f, switch, msk = _make_kernel(E_in, E_f)(
        vec[:, 0], vec[:, 1], vec[:, 2], distances, filter_indices)
    vec_f = jnp.stack([p0, p1, p2], axis=1)
    return vec_f, dist_f, switch, msk.astype(jnp.bool_)

# --- scband reference (transcript-rebuilt; emitter-appended) ---
"""Pipeline reference for scband-graph-filter-processor-17721035063581 (READ-ONLY COPY).

The authoritative reference and input builder live on the scoring server;
editing this copy changes nothing except your own understanding.
"""

import jax, jax.numpy as jnp
import numpy as np

CUTOFF = 5.0
E_IN = 6400000
E_F = 3200000
IDX_MAX = 6720000  # ~5% of indices are out-of-range to exercise mode='fill'


def setup_inputs(seed: int = 0) -> dict:
    key = jax.random.key(seed)
    k1, k2, k3 = jax.random.split(key, 3)
    vec = jax.random.normal(k1, (E_IN, 3), dtype=jnp.float32)
    # distances in [0, 1.2*cutoff] so edge_mask is nontrivial
    distances = jax.random.uniform(k2, (E_IN,), dtype=jnp.float32) * (CUTOFF * 1.2)
    filter_indices = jax.random.randint(k3, (E_F,), 0, IDX_MAX, dtype=jnp.int32)
    return {"vec": vec, "distances": distances, "filter_indices": filter_indices}


def reference(vec, distances, filter_indices):
    # GraphFilterProcessor.__call__ with graph_key='graph', graph_out='graph_filtered'.
    # Gather source-graph edge data at filter_indices; out-of-range indices are
    # filled with the cutoff value (FeNNol padding convention).
    cutoff = CUTOFF
    vec_f = vec.at[filter_indices].get(mode='fill', fill_value=cutoff)
    dist_f = distances.at[filter_indices].get(mode='fill', fill_value=cutoff)
    # SwitchFunction (default FeNNol cosine switch, switch_start=0, graph_key=None):
    edge_mask = dist_f < cutoff
    x = dist_f * (1.0 / cutoff)
    switch = jnp.where(edge_mask, 0.5 * jnp.cos(jnp.pi * x) + 0.5, 0.0)
    # Output graph dict fields as a tuple: (vec, distances, switch, edge_mask)
    return vec_f, dist_f, switch, edge_mask

if __name__ == "__main__":
    import jax
    _d = setup_inputs()
    print(jax.jit(kernel)(*tuple(_d.values())))

</pallas_src>

<mosaic_0001>
#map = affine_map<(d0, d1) -> (0)>
module attributes {stable_mosaic.version = 14 : i64} {
  func.func @k(%arg0: i32, %arg1: i32, %arg2: memref<6400000xf32, #tpu.memory_space<hbm>>, %arg3: memref<6400000xf32, #tpu.memory_space<hbm>>, %arg4: memref<6400000xf32, #tpu.memory_space<hbm>>, %arg5: memref<6400000xf32, #tpu.memory_space<hbm>>, %arg6: memref<3200000xi32, #tpu.memory_space<hbm>>, %arg7: memref<3200000xf32, #tpu.memory_space<hbm>>, %arg8: memref<3200000xf32, #tpu.memory_space<hbm>>, %arg9: memref<3200000xf32, #tpu.memory_space<hbm>>, %arg10: memref<3200000xf32, #tpu.memory_space<hbm>>, %arg11: memref<3200000xf32, #tpu.memory_space<hbm>>, %arg12: memref<3200000xi32, #tpu.memory_space<hbm>>, %arg13: memref<800xi32, #tpu.memory_space<vmem>>, %arg14: memref<800xi32, #tpu.memory_space<vmem>>, %arg15: memref<800xf32, #tpu.memory_space<vmem>>, %arg16: memref<800xf32, #tpu.memory_space<vmem>>, %arg17: memref<800xf32, #tpu.memory_space<vmem>>, %arg18: memref<800xf32, #tpu.memory_space<vmem>>, %arg19: memref<800xf32, #tpu.memory_space<vmem>>, %arg20: memref<800xi32, #tpu.memory_space<vmem>>, %arg21: memref<!tpu.dma_semaphore, #tpu.memory_space<semaphore_mem>>) attributes {dimension_semantics = [#tpu.dimension_semantics<core_parallel>, #tpu.dimension_semantics<subcore_parallel>], iteration_bounds = array<i64: 2, 16>, scalar_prefetch = 0 : i64, scratch_operands = 9 : i64, tpu.core_type = #tpu.core_type<sc_vector_subcore>, window_params = [{transform_indices = #map}, {transform_indices = #map}, {transform_indices = #map}, {transform_indices = #map}, {transform_indices = #map}, {transform_indices = #map}, {transform_indices = #map}, {transform_indices = #map}, {transform_indices = #map}, {transform_indices = #map}, {transform_indices = #map}]} {
    %mul3A = arith.constant 2 : i32
    %mul3A_0 = arith.muli %arg1, %mul3A : i32
    %add3A = arith.addi %mul3A_0, %arg0 : i32
    %mul3A_1 = arith.constant 100000 : i32
    %mul3A_2 = arith.muli %add3A, %mul3A_1 : i32
    %scan3A = arith.constant 0 : i32
    %scan3A_3 = arith.constant 0 : i32
    %scan3A_4 = arith.constant 125 : i32
    %scan3A_5 = arith.addi %scan3A_3, %scan3A_4 : i32
    %scan3A_6 = arith.constant 1 : i32
    scf.for %scan3A_8 = %scan3A_3 to %scan3A_5 step %scan3A_6  : i32 {
      %mul3A_9 = arith.constant 800 : i32
      %mul3A_10 = arith.muli %scan3A_8, %mul3A_9 : i32
      %add3A_11 = arith.addi %mul3A_2, %mul3A_10 : i32
      "tpu.region"() ({
        %run_scoped3A = tpu.sem_alloc : memref<!tpu.dma_semaphore, #tpu.memory_space<semaphore_mem>>
        %dma_start3A_38 = tpu.memref_slice %arg6[%add3A_11] : memref<3200000xi32, #tpu.memory_space<hbm>> -> memref<800xi32, #tpu.memory_space<hbm>>
        %dma_start3A_39 = tpu.memref_slice %arg6[%add3A_11] : memref<3200000xi32, #tpu.memory_space<hbm>> -> memref<800xi32, #tpu.memory_space<hbm>>
        tpu.enqueue_dma source(%dma_start3A_39 : memref<800xi32, #tpu.memory_space<hbm>>) target(%arg13 : memref<800xi32, #tpu.memory_space<vmem>>) target_semaphore(%run_scoped3A : memref<!tpu.dma_semaphore, #tpu.memory_space<semaphore_mem>>)
        %dma_wait3A_40 = tpu.memref_slice %arg6[%add3A_11] : memref<3200000xi32, #tpu.memory_space<hbm>> -> memref<800xi32, #tpu.memory_space<hbm>>
        %dma_wait3A_41 = tpu.memref_slice %arg6[%add3A_11] : memref<3200000xi32, #tpu.memory_space<hbm>> -> memref<800xi32, #tpu.memory_space<hbm>>
        tpu.wait_dma2 semaphore(%run_scoped3A : memref<!tpu.dma_semaphore, #tpu.memory_space<semaphore_mem>>) src(%dma_wait3A_41 : memref<800xi32, #tpu.memory_space<hbm>>) dst(%arg13 : memref<800xi32, #tpu.memory_space<vmem>>)
        tpu.yield
      }) : () -> ()
      %scan3A_12 = arith.constant 0 : i32
      %scan3A_13 = arith.constant 0 : i32
      %scan3A_14 = arith.constant 50 : i32
      %scan3A_15 = arith.addi %scan3A_13, %scan3A_14 : i32
      %scan3A_16 = arith.constant 1 : i32
      scf.for %scan3A_38 = %scan3A_13 to %scan3A_15 step %scan3A_16  : i32 {
        %mul3A_39 = arith.constant 16 : i32
        %mul3A_40 = arith.muli %scan3A_38, %mul3A_39 : i32
        %get3A = arith.index_cast %mul3A_40 : i32 to index
        %get3A_41 = tpu.vector_load %arg13[%get3A] {strides = array<i32>} : memref<800xi32, #tpu.memory_space<vmem>>, vector<16xi32>,
        %get3A_42 = vector.shape_cast %get3A_41 : vector<16xi32> to vector<16xi32>
        %min3A = arith.constant 6399999 : i32
        %min3A_43 = vector.broadcast %min3A : i32 to vector<16xi32>
        %min3A_44 = arith.minsi %get3A_42, %min3A_43 : vector<16xi32>
        %swap3A = arith.index_cast %mul3A_40 : i32 to index
        %swap3A_45 = tpu.vector_load %arg14[%swap3A] {strides = array<i32>} : memref<800xi32, #tpu.memory_space<vmem>>, vector<16xi32>,
        %swap3A_46 = vector.shape_cast %swap3A_45 : vector<16xi32> to vector<16xi32>
        %swap3A_47 = vector.shape_cast %min3A_44 : vector<16xi32> to vector<16xi32>
        tpu.vector_store %arg14[%swap3A], %swap3A_47 {strides = array<i32>} : memref<800xi32, #tpu.memory_space<vmem>>, vector<16xi32>,
      }
      %scan3A_17 = arith.constant 50 : i32
      %dma_start3A = arith.constant 0 : i32
      %dma_start3A_18 = tpu.memref_slice %arg2[%dma_start3A] : memref<6400000xf32, #tpu.memory_space<hbm>> -> memref<6400000xf32, #tpu.memory_space<hbm>>
      tpu.enqueue_indirect_dma source(%dma_start3A_18 : memref<6400000xf32, #tpu.memory_space<hbm>>) target(%arg15 : memref<800xf32, #tpu.memory_space<vmem>>) offsets(%arg14 : memref<800xi32, #tpu.memory_space<vmem>>) semaphore(%arg21 : memref<!tpu.dma_semaphore, #tpu.memory_space<semaphore_mem>>)
      %dma_start3A_19 = arith.constant 0 : i32
      %dma_start3A_20 = tpu.memref_slice %arg3[%dma_start3A_19] : memref<6400000xf32, #tpu.memory_space<hbm>> -> memref<6400000xf32, #tpu.memory_space<hbm>>
      tpu.enqueue_indirect_dma source(%dma_start3A_20 : memref<6400000xf32, #tpu.memory_space<hbm>>) target(%arg16 : memref<800xf32, #tpu.memory_space<vmem>>) offsets(%arg14 : memref<800xi32, #tpu.memory_space<vmem>>) semaphore(%arg21 : memref<!tpu.dma_semaphore, #tpu.memory_space<semaphore_mem>>)
      %dma_start3A_21 = arith.constant 0 : i32
      %dma_start3A_22 = tpu.memref_slice %arg4[%dma_start3A_21] : memref<6400000xf32, #tpu.memory_space<hbm>> -> memref<6400000xf32, #tpu.memory_space<hbm>>
      tpu.enqueue_indirect_dma source(%dma_start3A_22 : memref<6400000xf32, #tpu.memory_space<hbm>>) target(%arg17 : memref<800xf32, #tpu.memory_space<vmem>>) offsets(%arg14 : memref<800xi32, #tpu.memory_space<vmem>>) semaphore(%arg21 : memref<!tpu.dma_semaphore, #tpu.memory_space<semaphore_mem>>)
      %dma_start3A_23 = arith.constant 0 : i32
      %dma_start3A_24 = tpu.memref_slice %arg5[%dma_start3A_23] : memref<6400000xf32, #tpu.memory_space<hbm>> -> memref<6400000xf32, #tpu.memory_space<hbm>>
      tpu.enqueue_indirect_dma source(%dma_start3A_24 : memref<6400000xf32, #tpu.memory_space<hbm>>) target(%arg18 : memref<800xf32, #tpu.memory_space<vmem>>) offsets(%arg14 : memref<800xi32, #tpu.memory_space<vmem>>) semaphore(%arg21 : memref<!tpu.dma_semaphore, #tpu.memory_space<semaphore_mem>>)
      %dma_wait3A = arith.constant 0 : i32
      %dma_wait3A_25 = tpu.memref_slice %arg2[%dma_wait3A] : memref<6400000xf32, #tpu.memory_space<hbm>> -> memref<6400000xf32, #tpu.memory_space<hbm>>
      tpu.wait_indirect_dma semaphore(%arg21 : memref<!tpu.dma_semaphore, #tpu.memory_space<semaphore_mem>>) src(%dma_wait3A_25 : memref<6400000xf32, #tpu.memory_space<hbm>>) dst(%arg15 : memref<800xf32, #tpu.memory_space<vmem>>)
      %dma_wait3A_26 = arith.constant 0 : i32
      %dma_wait3A_27 = tpu.memref_slice %arg3[%dma_wait3A_26] : memref<6400000xf32, #tpu.memory_space<hbm>> -> memref<6400000xf32, #tpu.memory_space<hbm>>
      tpu.wait_indirect_dma semaphore(%arg21 : memref<!tpu.dma_semaphore, #tpu.memory_space<semaphore_mem>>) src(%dma_wait3A_27 : memref<6400000xf32, #tpu.memory_space<hbm>>) dst(%arg16 : memref<800xf32, #tpu.memory_space<vmem>>)
      %dma_wait3A_28 = arith.constant 0 : i32
      %dma_wait3A_29 = tpu.memref_slice %arg4[%dma_wait3A_28] : memref<6400000xf32, #tpu.memory_space<hbm>> -> memref<6400000xf32, #tpu.memory_space<hbm>>
      tpu.wait_indirect_dma semaphore(%arg21 : memref<!tpu.dma_semaphore, #tpu.memory_space<semaphore_mem>>) src(%dma_wait3A_29 : memref<6400000xf32, #tpu.memory_space<hbm>>) dst(%arg17 : memref<800xf32, #tpu.memory_space<vmem>>)
      %dma_wait3A_30 = arith.constant 0 : i32
      %dma_wait3A_31 = tpu.memref_slice %arg5[%dma_wait3A_30] : memref<6400000xf32, #tpu.memory_space<hbm>> -> memref<6400000xf32, #tpu.memory_space<hbm>>
      tpu.wait_indirect_dma semaphore(%arg21 : memref<!tpu.dma_semaphore, #tpu.memory_space<semaphore_mem>>) src(%dma_wait3A_31 : memref<6400000xf32, #tpu.memory_space<hbm>>) dst(%arg18 : memref<800xf32, #tpu.memory_space<vmem>>)
      %scan3A_32 = arith.constant 0 : i32
      %scan3A_33 = arith.constant 0 : i32
      %scan3A_34 = arith.constant 50 : i32
      %scan3A_35 = arith.addi %scan3A_33, %scan3A_34 : i32
      %scan3A_36 = arith.constant 1 : i32
      scf.for %scan3A_38 = %scan3A_33 to %scan3A_35 step %scan3A_36  : i32 {
        %mul3A_39 = arith.constant 16 : i32
        %mul3A_40 = arith.muli %scan3A_38, %mul3A_39 : i32
        %get3A = arith.index_cast %mul3A_40 : i32 to index
        %get3A_41 = tpu.vector_load %arg13[%get3A] {strides = array<i32>} : memref<800xi32, #tpu.memory_space<vmem>>, vector<16xi32>,
        %get3A_42 = vector.shape_cast %get3A_41 : vector<16xi32> to vector<16xi32>
        %lt3A = arith.constant 6400000 : i32
        %lt3A_43 = vector.broadcast %lt3A : i32 to vector<16xi32>
        %lt3A_44 = arith.cmpi slt, %get3A_42, %lt3A_43 : vector<16xi32>
        %get3A_45 = arith.index_cast %mul3A_40 : i32 to index
        %get3A_46 = tpu.vector_load %arg18[%get3A_45] {strides = array<i32>} : memref<800xf32, #tpu.memory_space<vmem>>, vector<16xf32>,
        %get3A_47 = vector.shape_cast %get3A_46 : vector<16xf32> to vector<16xf32>
        %jit3A = arith.constant 5.000000e+00 : f32
        %broadcast_in_dim3A = vector.broadcast %jit3A : f32 to vector<16xf32>
        %select_n3A = arith.select %lt3A_44, %get3A_47, %broadcast_in_dim3A : vector<16xi1>, vector<16xf32>
        %lt3A_48 = arith.constant 5.000000e+00 : f32
        %lt3A_49 = vector.broadcast %lt3A_48 : f32 to vector<16xf32>
        %lt3A_50 = arith.cmpf olt, %select_n3A, %lt3A_49 : vector<16xf32>
        %mul3A_51 = arith.constant 2.000000e-01 : f32
        %mul3A_52 = vector.broadcast %mul3A_51 : f32 to vector<16xf32>
        %mul3A_53 = arith.mulf %select_n3A, %mul3A_52 : vector<16xf32>
        %sub3A = arith.constant 5.000000e-01 : f32
        %sub3A_54 = vector.broadcast %sub3A : f32 to vector<16xf32>
        %sub3A_55 = arith.subf %mul3A_53, %sub3A_54 : vector<16xf32>
        %mul3A_56 = arith.constant 3.14159274 : f32
        %mul3A_57 = vector.broadcast %mul3A_56 : f32 to vector<16xf32>
        %mul3A_58 = arith.mulf %sub3A_55, %mul3A_57 : vector<16xf32>
        %mul3A_59 = arith.mulf %mul3A_58, %mul3A_58 : vector<16xf32>
        %mul3A_60 = arith.constant 1.37786594E-6 : f32
        %mul3A_61 = vector.broadcast %mul3A_60 : f32 to vector<16xf32>
        %mul3A_62 = arith.mulf %mul3A_61, %mul3A_59 : vector<16xf32>
        %add3A_63 = arith.constant -9.92063505E-5 : f32
        %add3A_64 = vector.broadcast %add3A_63 : f32 to vector<16xf32>
        %add3A_65 = arith.addf %mul3A_62, %add3A_64 : vector<16xf32>
        %mul3A_66 = arith.mulf %add3A_65, %mul3A_59 : vector<16xf32>
        %add3A_67 = arith.constant 0.00416666688 : f32
        %add3A_68 = vector.broadcast %add3A_67 : f32 to vector<16xf32>
        %add3A_69 = arith.addf %mul3A_66, %add3A_68 : vector<16xf32>
        %mul3A_70 = arith.mulf %add3A_69, %mul3A_59 : vector<16xf32>
        %add3A_71 = arith.constant -0.0833333358 : f32
        %add3A_72 = vector.broadcast %add3A_71 : f32 to vector<16xf32>
        %add3A_73 = arith.addf %mul3A_70, %add3A_72 : vector<16xf32>
        %mul3A_74 = arith.mulf %add3A_73, %mul3A_59 : vector<16xf32>
        %add3A_75 = arith.constant 5.000000e-01 : f32
        %add3A_76 = vector.broadcast %add3A_75 : f32 to vector<16xf32>
        %add3A_77 = arith.addf %mul3A_74, %add3A_76 : vector<16xf32>
        %mul3A_78 = arith.mulf %mul3A_58, %add3A_77 : vector<16xf32>
        %sub3A_79 = arith.constant 5.000000e-01 : f32
        %sub3A_80 = vector.broadcast %sub3A_79 : f32 to vector<16xf32>
        %sub3A_81 = arith.subf %sub3A_80, %mul3A_78 : vector<16xf32>
        %jit3A_82 = arith.constant 0.000000e+00 : f32
        %broadcast_in_dim3A_83 = vector.broadcast %jit3A_82 : f32 to vector<16xf32>
        %select_n3A_84 = arith.select %lt3A_50, %sub3A_81, %broadcast_in_dim3A_83 : vector<16xi1>, vector<16xf32>
        %swap3A = arith.index_cast %mul3A_40 : i32 to index
        %swap3A_85 = tpu.vector_load %arg18[%swap3A] {strides = array<i32>} : memref<800xf32, #tpu.memory_space<vmem>>, vector<16xf32>,
        %swap3A_86 = vector.shape_cast %swap3A_85 : vector<16xf32> to vector<16xf32>
        %swap3A_87 = vector.shape_cast %select_n3A : vector<16xf32> to vector<16xf32>
        tpu.vector_store %arg18[%swap3A], %swap3A_87 {strides = array<i32>} : memref<800xf32, #tpu.memory_space<vmem>>, vector<16xf32>,
        %swap3A_88 = arith.index_cast %mul3A_40 : i32 to index
        %swap3A_89 = tpu.vector_load %arg19[%swap3A_88] {strides = array<i32>} : memref<800xf32, #tpu.memory_space<vmem>>, vector<16xf32>,
        %swap3A_90 = vector.shape_cast %swap3A_89 : vector<16xf32> to vector<16xf32>
        %swap3A_91 = vector.shape_cast %select_n3A_84 : vector<16xf32> to vector<16xf32>
        tpu.vector_store %arg19[%swap3A_88], %swap3A_91 {strides = array<i32>} : memref<800xf32, #tpu.memory_space<vmem>>, vector<16xf32>,
        %jit3A_92 = arith.constant 1 : i32
        %jit3A_93 = arith.constant 0 : i32
        %broadcast_in_dim3A_94 = vector.broadcast %jit3A_92 : i32 to vector<16xi32>
        %broadcast_in_dim3A_95 = vector.broadcast %jit3A_93 : i32 to vector<16xi32>
        %select_n3A_96 = arith.select %lt3A_50, %broadcast_in_dim3A_94, %broadcast_in_dim3A_95 : vector<16xi1>, vector<16xi32>
        %swap3A_97 = arith.index_cast %mul3A_40 : i32 to index
        %swap3A_98 = tpu.vector_load %arg20[%swap3A_97] {strides = array<i32>} : memref<800xi32, #tpu.memory_space<vmem>>, vector<16xi32>,
        %swap3A_99 = vector.shape_cast %swap3A_98 : vector<16xi32> to vector<16xi32>
        %swap3A_100 = vector.shape_cast %select_n3A_96 : vector<16xi32> to vector<16xi32>
        tpu.vector_store %arg20[%swap3A_97], %swap3A_100 {strides = array<i32>} : memref<800xi32, #tpu.memory_space<vmem>>, vector<16xi32>,
        %get3A_101 = arith.index_cast %mul3A_40 : i32 to index
        %get3A_102 = tpu.vector_load %arg15[%get3A_101] {strides = array<i32>} : memref<800xf32, #tpu.memory_space<vmem>>, vector<16xf32>,
        %get3A_103 = vector.shape_cast %get3A_102 : vector<16xf32> to vector<16xf32>
        %jit3A_104 = arith.constant 5.000000e+00 : f32
        %broadcast_in_dim3A_105 = vector.broadcast %jit3A_104 : f32 to vector<16xf32>
        %select_n3A_106 = arith.select %lt3A_44, %get3A_103, %broadcast_in_dim3A_105 : vector<16xi1>, vector<16xf32>
        %swap3A_107 = arith.index_cast %mul3A_40 : i32 to index
        %swap3A_108 = tpu.vector_load %arg15[%swap3A_107] {strides = array<i32>} : memref<800xf32, #tpu.memory_space<vmem>>, vector<16xf32>,
        %swap3A_109 = vector.shape_cast %swap3A_108 : vector<16xf32> to vector<16xf32>
        %swap3A_110 = vector.shape_cast %select_n3A_106 : vector<16xf32> to vector<16xf32>
        tpu.vector_store %arg15[%swap3A_107], %swap3A_110 {strides = array<i32>} : memref<800xf32, #tpu.memory_space<vmem>>, vector<16xf32>,
        %get3A_111 = arith.index_cast %mul3A_40 : i32 to index
        %get3A_112 = tpu.vector_load %arg16[%get3A_111] {strides = array<i32>} : memref<800xf32, #tpu.memory_space<vmem>>, vector<16xf32>,
        %get3A_113 = vector.shape_cast %get3A_112 : vector<16xf32> to vector<16xf32>
        %jit3A_114 = arith.constant 5.000000e+00 : f32
        %broadcast_in_dim3A_115 = vector.broadcast %jit3A_114 : f32 to vector<16xf32>
        %select_n3A_116 = arith.select %lt3A_44, %get3A_113, %broadcast_in_dim3A_115 : vector<16xi1>, vector<16xf32>
        %swap3A_117 = arith.index_cast %mul3A_40 : i32 to index
        %swap3A_118 = tpu.vector_load %arg16[%swap3A_117] {strides = array<i32>} : memref<800xf32, #tpu.memory_space<vmem>>, vector<16xf32>,
        %swap3A_119 = vector.shape_cast %swap3A_118 : vector<16xf32> to vector<16xf32>
        %swap3A_120 = vector.shape_cast %select_n3A_116 : vector<16xf32> to vector<16xf32>
        tpu.vector_store %arg16[%swap3A_117], %swap3A_120 {strides = array<i32>} : memref<800xf32, #tpu.memory_space<vmem>>, vector<16xf32>,
        %get3A_121 = arith.index_cast %mul3A_40 : i32 to index
        %get3A_122 = tpu.vector_load %arg17[%get3A_121] {strides = array<i32>} : memref<800xf32, #tpu.memory_space<vmem>>, vector<16xf32>,
        %get3A_123 = vector.shape_cast %get3A_122 : vector<16xf32> to vector<16xf32>
        %jit3A_124 = arith.constant 5.000000e+00 : f32
        %broadcast_in_dim3A_125 = vector.broadcast %jit3A_124 : f32 to vector<16xf32>
        %select_n3A_126 = arith.select %lt3A_44, %get3A_123, %broadcast_in_dim3A_125 : vector<16xi1>, vector<16xf32>
        %swap3A_127 = arith.index_cast %mul3A_40 : i32 to index
        %swap3A_128 = tpu.vector_load %arg17[%swap3A_127] {strides = array<i32>} : memref<800xf32, #tpu.memory_space<vmem>>, vector<16xf32>,
        %swap3A_129 = vector.shape_cast %swap3A_128 : vector<16xf32> to vector<16xf32>
        %swap3A_130 = vector.shape_cast %select_n3A_126 : vector<16xf32> to vector<16xf32>
        tpu.vector_store %arg17[%swap3A_127], %swap3A_130 {strides = array<i32>} : memref<800xf32, #tpu.memory_space<vmem>>, vector<16xf32>,
      }
      %scan3A_37 = arith.constant 50 : i32
      "tpu.region"() ({
        %run_scoped3A = tpu.sem_alloc : memref<!tpu.dma_semaphore, #tpu.memory_space<semaphore_mem>>
        %dma_start3A_38 = tpu.memref_slice %arg7[%add3A_11] : memref<3200000xf32, #tpu.memory_space<hbm>> -> memref<800xf32, #tpu.memory_space<hbm>>
        %dma_start3A_39 = tpu.memref_slice %arg7[%add3A_11] : memref<3200000xf32, #tpu.memory_space<hbm>> -> memref<800xf32, #tpu.memory_space<hbm>>
        tpu.enqueue_dma source(%arg15 : memref<800xf32, #tpu.memory_space<vmem>>) target(%dma_start3A_39 : memref<800xf32, #tpu.memory_space<hbm>>) target_semaphore(%run_scoped3A : memref<!tpu.dma_semaphore, #tpu.memory_space<semaphore_mem>>)
        %dma_wait3A_40 = tpu.memref_slice %arg7[%add3A_11] : memref<3200000xf32, #tpu.memory_space<hbm>> -> memref<800xf32, #tpu.memory_space<hbm>>
        %dma_wait3A_41 = tpu.memref_slice %arg7[%add3A_11] : memref<3200000xf32, #tpu.memory_space<hbm>> -> memref<800xf32, #tpu.memory_space<hbm>>
        tpu.wait_dma2 semaphore(%run_scoped3A : memref<!tpu.dma_semaphore, #tpu.memory_space<semaphore_mem>>) src(%arg15 : memref<800xf32, #tpu.memory_space<vmem>>) dst(%dma_wait3A_41 : memref<800xf32, #tpu.memory_space<hbm>>)
        tpu.yield
      }) : () -> ()
      "tpu.region"() ({
        %run_scoped3A = tpu.sem_alloc : memref<!tpu.dma_semaphore, #tpu.memory_space<semaphore_mem>>
        %dma_start3A_38 = tpu.memref_slice %arg8[%add3A_11] : memref<3200000xf32, #tpu.memory_space<hbm>> -> memref<800xf32, #tpu.memory_space<hbm>>
        %dma_start3A_39 = tpu.memref_slice %arg8[%add3A_11] : memref<3200000xf32, #tpu.memory_space<hbm>> -> memref<800xf32, #tpu.memory_space<hbm>>
        tpu.enqueue_dma source(%arg16 : memref<800xf32, #tpu.memory_space<vmem>>) target(%dma_start3A_39 : memref<800xf32, #tpu.memory_space<hbm>>) target_semaphore(%run_scoped3A : memref<!tpu.dma_semaphore, #tpu.memory_space<semaphore_mem>>)
        %dma_wait3A_40 = tpu.memref_slice %arg8[%add3A_11] : memref<3200000xf32, #tpu.memory_space<hbm>> -> memref<800xf32, #tpu.memory_space<hbm>>
        %dma_wait3A_41 = tpu.memref_slice %arg8[%add3A_11] : memref<3200000xf32, #tpu.memory_space<hbm>> -> memref<800xf32, #tpu.memory_space<hbm>>
        tpu.wait_dma2 semaphore(%run_scoped3A : memref<!tpu.dma_semaphore, #tpu.memory_space<semaphore_mem>>) src(%arg16 : memref<800xf32, #tpu.memory_space<vmem>>) dst(%dma_wait3A_41 : memref<800xf32, #tpu.memory_space<hbm>>)
        tpu.yield
      }) : () -> ()
      "tpu.region"() ({
        %run_scoped3A = tpu.sem_alloc : memref<!tpu.dma_semaphore, #tpu.memory_space<semaphore_mem>>
        %dma_start3A_38 = tpu.memref_slice %arg9[%add3A_11] : memref<3200000xf32, #tpu.memory_space<hbm>> -> memref<800xf32, #tpu.memory_space<hbm>>
        %dma_start3A_39 = tpu.memref_slice %arg9[%add3A_11] : memref<3200000xf32, #tpu.memory_space<hbm>> -> memref<800xf32, #tpu.memory_space<hbm>>
        tpu.enqueue_dma source(%arg17 : memref<800xf32, #tpu.memory_space<vmem>>) target(%dma_start3A_39 : memref<800xf32, #tpu.memory_space<hbm>>) target_semaphore(%run_scoped3A : memref<!tpu.dma_semaphore, #tpu.memory_space<semaphore_mem>>)
        %dma_wait3A_40 = tpu.memref_slice %arg9[%add3A_11] : memref<3200000xf32, #tpu.memory_space<hbm>> -> memref<800xf32, #tpu.memory_space<hbm>>
        %dma_wait3A_41 = tpu.memref_slice %arg9[%add3A_11] : memref<3200000xf32, #tpu.memory_space<hbm>> -> memref<800xf32, #tpu.memory_space<hbm>>
        tpu.wait_dma2 semaphore(%run_scoped3A : memref<!tpu.dma_semaphore, #tpu.memory_space<semaphore_mem>>) src(%arg17 : memref<800xf32, #tpu.memory_space<vmem>>) dst(%dma_wait3A_41 : memref<800xf32, #tpu.memory_space<hbm>>)
        tpu.yield
      }) : () -> ()
      "tpu.region"() ({
        %run_scoped3A = tpu.sem_alloc : memref<!tpu.dma_semaphore, #tpu.memory_space<semaphore_mem>>
        %dma_start3A_38 = tpu.memref_slice %arg10[%add3A_11] : memref<3200000xf32, #tpu.memory_space<hbm>> -> memref<800xf32, #tpu.memory_space<hbm>>
        %dma_start3A_39 = tpu.memref_slice %arg10[%add3A_11] : memref<3200000xf32, #tpu.memory_space<hbm>> -> memref<800xf32, #tpu.memory_space<hbm>>
        tpu.enqueue_dma source(%arg18 : memref<800xf32, #tpu.memory_space<vmem>>) target(%dma_start3A_39 : memref<800xf32, #tpu.memory_space<hbm>>) target_semaphore(%run_scoped3A : memref<!tpu.dma_semaphore, #tpu.memory_space<semaphore_mem>>)
        %dma_wait3A_40 = tpu.memref_slice %arg10[%add3A_11] : memref<3200000xf32, #tpu.memory_space<hbm>> -> memref<800xf32, #tpu.memory_space<hbm>>
        %dma_wait3A_41 = tpu.memref_slice %arg10[%add3A_11] : memref<3200000xf32, #tpu.memory_space<hbm>> -> memref<800xf32, #tpu.memory_space<hbm>>
        tpu.wait_dma2 semaphore(%run_scoped3A : memref<!tpu.dma_semaphore, #tpu.memory_space<semaphore_mem>>) src(%arg18 : memref<800xf32, #tpu.memory_space<vmem>>) dst(%dma_wait3A_41 : memref<800xf32, #tpu.memory_space<hbm>>)
        tpu.yield
      }) : () -> ()
      "tpu.region"() ({
        %run_scoped3A = tpu.sem_alloc : memref<!tpu.dma_semaphore, #tpu.memory_space<semaphore_mem>>
        %dma_start3A_38 = tpu.memref_slice %arg11[%add3A_11] : memref<3200000xf32, #tpu.memory_space<hbm>> -> memref<800xf32, #tpu.memory_space<hbm>>
        %dma_start3A_39 = tpu.memref_slice %arg11[%add3A_11] : memref<3200000xf32, #tpu.memory_space<hbm>> -> memref<800xf32, #tpu.memory_space<hbm>>
        tpu.enqueue_dma source(%arg19 : memref<800xf32, #tpu.memory_space<vmem>>) target(%dma_start3A_39 : memref<800xf32, #tpu.memory_space<hbm>>) target_semaphore(%run_scoped3A : memref<!tpu.dma_semaphore, #tpu.memory_space<semaphore_mem>>)
        %dma_wait3A_40 = tpu.memref_slice %arg11[%add3A_11] : memref<3200000xf32, #tpu.memory_space<hbm>> -> memref<800xf32, #tpu.memory_space<hbm>>
        %dma_wait3A_41 = tpu.memref_slice %arg11[%add3A_11] : memref<3200000xf32, #tpu.memory_space<hbm>> -> memref<800xf32, #tpu.memory_space<hbm>>
        tpu.wait_dma2 semaphore(%run_scoped3A : memref<!tpu.dma_semaphore, #tpu.memory_space<semaphore_mem>>) src(%arg19 : memref<800xf32, #tpu.memory_space<vmem>>) dst(%dma_wait3A_41 : memref<800xf32, #tpu.memory_space<hbm>>)
        tpu.yield
      }) : () -> ()
      "tpu.region"() ({
        %run_scoped3A = tpu.sem_alloc : memref<!tpu.dma_semaphore, #tpu.memory_space<semaphore_mem>>
        %dma_start3A_38 = tpu.memref_slice %arg12[%add3A_11] : memref<3200000xi32, #tpu.memory_space<hbm>> -> memref<800xi32, #tpu.memory_space<hbm>>
        %dma_start3A_39 = tpu.memref_slice %arg12[%add3A_11] : memref<3200000xi32, #tpu.memory_space<hbm>> -> memref<800xi32, #tpu.memory_space<hbm>>
        tpu.enqueue_dma source(%arg20 : memref<800xi32, #tpu.memory_space<vmem>>) target(%dma_start3A_39 : memref<800xi32, #tpu.memory_space<hbm>>) target_semaphore(%run_scoped3A : memref<!tpu.dma_semaphore, #tpu.memory_space<semaphore_mem>>)
        %dma_wait3A_40 = tpu.memref_slice %arg12[%add3A_11] : memref<3200000xi32, #tpu.memory_space<hbm>> -> memref<800xi32, #tpu.memory_space<hbm>>
        %dma_wait3A_41 = tpu.memref_slice %arg12[%add3A_11] : memref<3200000xi32, #tpu.memory_space<hbm>> -> memref<800xi32, #tpu.memory_space<hbm>>
        tpu.wait_dma2 semaphore(%run_scoped3A : memref<!tpu.dma_semaphore, #tpu.memory_space<semaphore_mem>>) src(%arg20 : memref<800xi32, #tpu.memory_space<vmem>>) dst(%dma_wait3A_41 : memref<800xi32, #tpu.memory_space<hbm>>)
        tpu.yield
      }) : () -> ()
    }
    %scan3A_7 = arith.constant 125 : i32
    return
  }
}

</mosaic_0001>

<sc_bundles>
// kernel: kernel.3.cloned.1.call-start
scs
__scs_entry_jumppad:
0x0: {  	(pc) =	sbr.rel $0x88, $3  }
0x1: {  	(tag) =	ssettag $0x0;
	lr =	simm.s32 $0x1  }
0x2: {  	[smem:$0x3F9E] =	sst lr;
	_ =	strace $0xD0000000  }
0x3: {  	_ = 	snop  }
0x4: {  	_ = 	snop  }
0x5: {  	_ = 	snop  }
0x6: {  	_ = 	snop  }
0x7: {  	_ = 	snop  }
__scs_overlays_trampoline_lowered:
0x8: {  	[smem:$0x3FAD] =	sst s0  }
0x9: {  	[smem:$0x3FAE] =	sst s1  }
0xa: {  	[smem:$0x3FAF] =	sst s2  }
0xb: {  	[smem:$0x3FB0] =	sst s3  }
0xc: {  	[smem:$0x3FB1] =	sst s4  }
0xd: {  	[smem:$0x3FB2] =	sst s5  }
0xe: {  	[smem:$0x3FB3] =	sst s6  }
0xf: {  	[smem:$0x3FB4] =	sst s7  }
0x10: {  	[smem:$0x3FB5] =	sst s8  }
0x11: {  	[smem:$0x3FB6] =	sst s9;
	s0 =	simm.s32 @!p0 $0x0  }
0x12: {  	s1 =	sld [smem:$0x3F9C];
	s0 =	simm.s32 @p0 $0x1  }
0x13: {  	[smem:$0x3FB7] =	sst s0;
	s0 =	simm.s32 @!p1 $0x0  }
0x14: {  	s2 =	sld [smem:$0x3F9B];
	s0 =	simm.s32 @p1 $0x1  }
0x15: {  	[smem:$0x3FB8] =	sst s0;
	s0 =	simm.s32 @!p2 $0x0  }
0x16: {  	s3 =	sld [smem:$0x3FDB];
	s0 =	simm.s32 @p2 $0x1  }
0x17: {  	s4 =	simm.s32 $0x1BF5;
	[smem:$0x3FBA] =	sst s0  }
0x18: {  	s0 =	sld [smem:$0x3F9D];
	_ =	swait.ge [sflag:s4], $0x0  }
0x19: {  	s7 =	sld [smem:$0x3F9E]  }
0x1a: {  	s8 =	sadd.s32 $0xFFFFE003, lr  }
0x1b: {  	s9 =	sadd.s32 $0xFFFFFEF7, lr;
	s5 =	simm.s32 $0xFFFFFFFF;
	p2 =	slt.u32 s8, $0xFFFFF086  }
0x1c: {  	p1 =	slt.u32 s9, $0xF7A;
	s5 =	simm.s32 @!p2 $0x0  }
0x1d: {  	s5 =	simm.s32 @p1 $0x1;
	p0 =	seq.s32 s7, s2  }
0x1e: {  	s7 =	smul.u32 @!p0 $0xF7A, s2;
	p2 =	seq.s32 @!p0 s5, $0x0  }
0x1f: {  	s9 =	smul.u32 $0xF7A, s1;
	s8 =	simm.s32 @!p0 $0x1BF5;
	p2 =	por !p2, p0  }
0x20: {  	[sflag:s8] =	ssyncset.s32 @!p0 $0xFFFFF086;
	s6 =	sadd.s32 @!p0 s3, s7;
	s7 =	simm.s32 @!p0 $0x108  }
0x21: {  	s3 =	sadd.s32 s3, s9;
	s6 =	sadd.s32 @!p0 $0x88, s6;
	s7 =	simm.s32 @p2 $0x1082  }
0x22: {  	[simem:s7], [sflag:s8] =	dma.local @!p0 [hbm:s6], $0xF7A  }
0x23: {  	s9 =	sor.u32 $0xD0000000, s2;
	s6 =	simm.s32 $0x108;
	_ =	swait.ge @!p0 [sflag:s8], $0x0  }
0x24: {  	s3 =	sadd.s32 $0x88, s3;
	s6 =	simm.s32 @!p1 $0x1082;
	[sflag:s4] =	ssyncset.s32 $0xFFFFF086  }
0x25: {  	[simem:s6], [sflag:s4] =	dma.local [hbm:s3], $0xF7A  }
0x26: {  	[smem:$0x3F9E] =	sst s1;
	(tag) =	ssettag s2;
	_ =	strace s9  }
0x27: {  	s1 =	sld [smem:$0x3FAE]  }
0x28: {  	s2 =	sld [smem:$0x3FAF]  }
0x29: {  	s4 =	sld [smem:$0x3FB1]  }
0x2a: {  	p0 =	seq.s32 s5, $0x0;
	s5 =	sld [smem:$0x3FB2]  }
0x2b: {  	s6 =	sld [smem:$0x3FB3]  }
0x2c: {  	s7 =	sld [smem:$0x3FB4]  }
0x2d: {  	s3 =	simm.s32 $0x108;
	s8 =	sld [smem:$0x3FB5]  }
0x2e: {  	s3 =	simm.s32 @!p0 $0x1082;
	s9 =	sld [smem:$0x3FB6]  }
0x2f: {  	lr =	sadd.s32 s0, s3;
	s0 =	sld [smem:$0x3FAD]  }
0x30: {  	s3 =	sld [smem:$0x3FB0]  }
0x31: {  	[smem:$0x3FB9] =	sst s10  }
0x32: {  	s10 =	sld [smem:$0x3FB7];
	_ =	sdelay $0x3  }
0x33: {  	p0 =	seq.s32 s10, $0x1;
	s10 =	sld [smem:$0x3FB9];
	_ =	sdelay $0x3  }
0x34: {  	[smem:$0x3FB9] =	sst s10  }
0x35: {  	s10 =	sld [smem:$0x3FB8];
	_ =	sdelay $0x3  }
0x36: {  	p1 =	seq.s32 s10, $0x1;
	s10 =	sld [smem:$0x3FB9];
	_ =	sdelay $0x3  }
0x37: {  	[smem:$0x3FB9] =	sst s10  }
0x38: {  	s10 =	sld [smem:$0x3FBA]  }
0x39: {  	_ = 	snop;
	(pc) =	sbr.ind lr, $3  }
0x3a: {  	_ = 	snop  }
0x3b: {  	_ = 	snop  }
0x3c: {  	p2 =	seq.s32 s10, $0x1;
	s10 =	sld [smem:$0x3FB9]  }
0x3d: {  	_ =	shalt  }
0x3e: {  	_ =	shalt  }
0x3f: {  	_ =	shalt  }
0x40: {  	_ =	shalt  }
0x41: {  	_ =	shalt  }
0x42: {  	_ =	shalt  }
0x43: {  	_ =	shalt  }
0x44: {  	_ =	shalt  }
0x45: {  	_ =	shalt  }
0x46: {  	_ =	shalt  }
0x47: {  	_ =	shalt  }
0x48: {  	_ =	shalt  }
0x49: {  	_ =	shalt  }
0x4a: {  	_ =	shalt  }
0x4b: {  	_ =	shalt  }
0x4c: {  	_ =	shalt  }
0x4d: {  	_ =	shalt  }
0x4e: {  	_ =	shalt  }
0x4f: {  	_ =	shalt  }
0x50: {  	_ =	shalt  }
0x51: {  	_ =	shalt  }
0x52: {  	_ =	shalt  }
0x53: {  	_ =	shalt  }
0x54: {  	_ =	shalt  }
0x55: {  	_ =	shalt  }
0x56: {  	_ =	shalt  }
0x57: {  	_ =	shalt  }
0x58: {  	_ =	shalt  }
0x59: {  	_ =	shalt  }
0x5a: {  	_ =	shalt  }
0x5b: {  	_ =	shalt  }
0x5c: {  	_ =	shalt  }
0x5d: {  	_ =	shalt  }
0x5e: {  	_ =	shalt  }
0x5f: {  	_ =	shalt  }
0x60: {  	_ =	shalt  }
0x61: {  	_ =	shalt  }
0x62: {  	_ =	shalt  }
0x63: {  	_ =	shalt  }
0x64: {  	_ =	shalt  }
0x65: {  	_ =	shalt  }
0x66: {  	_ =	shalt  }
0x67: {  	_ =	shalt  }
0x68: {  	_ =	shalt  }
0x69: {  	_ =	shalt  }
0x6a: {  	_ =	shalt  }
0x6b: {  	_ =	shalt  }
0x6c: {  	_ =	shalt  }
0x6d: {  	_ =	shalt  }
0x6e: {  	_ =	shalt  }
0x6f: {  	_ =	shalt  }
0x70: {  	_ =	shalt  }
0x71: {  	_ =	shalt  }
0x72: {  	_ =	shalt  }
0x73: {  	_ =	shalt  }
0x74: {  	_ =	shalt  }
0x75: {  	_ =	shalt  }
0x76: {  	_ =	shalt  }
0x77: {  	_ =	shalt  }
0x78: {  	_ =	shalt  }
0x79: {  	_ =	shalt  }
0x7a: {  	_ =	shalt  }
0x7b: {  	_ =	shalt  }
0x7c: {  	_ =	shalt  }
0x7d: {  	_ =	shalt  }
0x7e: {  	_ =	shalt  }
0x7f: {  	_ =	shalt  }
0x80: {  	_ =	shalt  }
0x81: {  	_ =	shalt  }
0x82: {  	_ =	shalt  }
0x83: {  	_ =	shalt  }
0x84: {  	_ =	shalt  }
0x85: {  	_ =	shalt  }
0x86: {  	_ =	shalt  }
0x87: {  	_ =	shalt  }
.Lfunc_end0:
.L_simem_size_0:
called_computation_lowered:
.L_overlay_start_0:
0x88: {  	s2 =	sld [smem:$0x3FD9]  }
0x89: {  	s3 =	sld [smem:$0x3FFE];
	_ =	sdelay $0x1  }
0x8a: {  	s1 =	srdreg.scid  }
0x8b: {  	s0 =	sand.u32 $0x1, s1  }
0x8c: {  	s14 =	sshll.u32 s0, $0xA;
	s2 =	sadd.s32 s3, s2  }
0x8d: {  	s2 =	sadd.s32 s2, s14  }
0x8e: {  	[smem:$0x3FC5] =	sst s2  }
0x8f: {  	_ = 	snop  }
0x90: {  	s2 =	sld [smem:$0x3FD0];
	_ =	sdelay $0x1  }
0x91: {  	s15 =	sld [smem:$0x3FC8]  }
0x92: {  	s5 =	simm.s32 $0xA;
	s6 =	simm.s32 $0x10;
	s4 =	sld [smem:$0x3FC7]  }
0x93: {  	[smem:s6], [sflag:s5] =	dma.local [hbm:s2], $0x1  }
0x94: {  	_ =	swait.eq [sflag:s5], $0x1  }
0x95: {  	s16 =	sld [smem:$0x10];
	[sflag:s5] =	ssyncset.done $0x0  }
0x96: {  	s17 =	sld [smem:$0x11];
	[sflag:s5] =	ssyncadd.s32 $0xFFFFFFFF  }
0x97: {  	s18 =	sld [smem:$0x12];
	(tm) =	ssettm $0x1  }
0x98: {  	s7 =	sld [smem:$0x3FFB];
	_ =	sdelay $0x3  }
0x99: {  	_ =	strace s7  }
0x9a: {  	s7 =	sld [smem:$0x3FFC];
	_ =	sdelay $0x3  }
0x9b: {  	_ =	strace s7  }
0x9c: {  	s7 =	sld [smem:$0x3FFD];
	_ =	sdelay $0x3  }
0x9d: {  	_ =	strace s7  }
0x9e: {  	_ =	strace $0x8FFFFFFF  }
0x9f: {  	s19 =	sld [smem:$0x3FDB];
	_ =	sdelay $0x1  }
0xa0: {  	s8 =	simm.s32 $_scs_section_size  }
0xa1: {  	s9 =	simm.s32 $_size__tile_overlayer_lowered;
	s10 =	simm.s32 $_tile_overlayer_lowered  }
0xa2: {  	s22 =	simm.s32 $0x1BFF;
	s21 =	sshll.u32 s10, $0x1;
	s7 =	sadd.s32 s8, s19  }
0xa3: {  	s11 =	simm.s32 $0x0;
	s20 =	sshll.u32 s9, $0x1;
	s9 =	sadd.s32 s21, s7  }
0xa4: {  	[timem:s11], [sflag:s22] =	dma.local [hbm:s9], s20  }
0xa5: {  	_ =	swait.ge [sflag:s22], s20  }
0xa6: {  	s8 =	ssub.s32 $0x0, s20;
	[sflag:s22] =	ssyncset.done $0x0  }
0xa7: {  	[sflag:s22] =	ssyncadd.s32 s8;
	_ =	sdelay $0x1  }
0xa8: {  	s23 =	simm.s32 $0x1B8B  }
0xa9: {  	_ =	swait.ge [sflag:s23], $0x1  }
0xaa: {  	[sflag:s23] =	ssyncset.done $0x0  }
0xab: {  	s25 =	simm.s32 $0x1B8E;
	s24 =	sld [smem:$0x3FFE];
	[sflag:s23] =	ssyncadd.s32 $0xFFFFFFFF  }
0xac: {  	s26 =	simm.s32 $execute0_lowered;
	[smem:$0x3FD2] =	sst s25  }
0xad: {  	s9 =	sshll.u32 s26, $0x1;
	_ =	strace $0x80000046;
	[dreg:$0x1] =	wrdreg $0xFFFFFFFF  }
0xae: {  	s28 =	simm.s32 $_size_execute0_lowered;
	s7 =	sadd.s32 s7, s9;
	[dreg:$0x0] =	wrdreg $0x0  }
0xaf: {  	s9 =	sshll.u32 s28, $0x1;
	[dreg:$0x2] =	wrdreg s7  }
0xb0: {  	[dreg:$0x3] =	wrdreg s9  }
0xb1: {  	[dreg:$0x4] =	wrdreg $0xC0  }
0xb2: {  	_ =	task [dreg:s11], $0x5FFFF  }
0xb3: {  	[dreg:$0x1] =	wrdreg $0xFFFFFFFF  }
0xb4: {  	[dreg:$0x0] =	wrdreg $0x60  }
0xb5: {  	[dreg:$0x2] =	wrdreg s24  }
0xb6: {  	[dreg:$0x3] =	wrdreg s16  }
0xb7: {  	[dreg:$0x4] =	wrdreg s15  }
0xb8: {  	[dreg:$0x5] =	wrdreg s4  }
0xb9: {  	[dreg:$0x6] =	wrdreg s17  }
0xba: {  	[dreg:$0x7] =	wrdreg s18  }
0xbb: {  	[dreg:$0x8] =	wrdreg $0x9  }
0xbc: {  	_ =	task.clear_ibuf [dreg:s11], $0x9FFFF;
	_ =	strace $0x90000046  }
0xbd: {  	s29 =	simm.s32 $0x9;
	_ =	strace $0x80000048  }
0xbe: {  	_ =	swait.ge [sflag:s29], $0x1  }
0xbf: {  	[sflag:s29] =	ssyncadd.s32 $0xFFFFFFFF  }
0xc0: {  	_ =	strace $0x90000048  }
0xc1: {  	_ =	sfence  }
0xc2: {  	s30 =	sld [smem:$0x0];
	_ =	sdelay $0x2  }
0xc3: {  	s31 =	sshll.u32 s1, $0xD;
	s1 =	sshrl.u32 s1, $0x2  }
0xc4: {  	s3 =	sand.u32 $0x4000, s31;
	s1 =	sadd.s32 s1, s30  }
0xc5: {  	s0 =	sor.u32 s3, s0;
	s1 =	sshll.u32 s1, $0x11  }
0xc6: {  	s0 =	sor.u32 s1, s0  }
0xc7: {  	s0 =	sadd.s32 $0x8F2B, s0  }
0xc8: {  	[sflag:s0] =	ssyncadd.remote.s32 $0x1  }
0xc9: {  	_ =	sfence.sel $0xFFFF  }
0xca: {  	[dreg:$0x0] =	wrdreg $0xFFFFFFFF;
	(pc) =	sbr.abs _section_cstart, $3  }
0xcb: {  	[dreg:$0x1] =	wrdreg $0xFFFFFFFF  }
0xcc: {  	_ =	task.clear_ibuf [dreg:s11], $0x2FFFF;
	_ =	strace $0x9FFFFFFF  }
0xcd: {  	(tm) =	ssettm $0x7FFFFFFF  }
tec
execute0_lowered:
.L_overlay_start_1:
0x0: {  	(tag) =	ssettag $0x1  }
0x1: {  	s0 =	rddreg [dreg:$0x0]  }
0x2: {  	s5 =	rddreg [dreg:$0x5];
	s6 =	simm.s32 $0x0  }
0x3: {  	s1 =	srdreg.scid;
	s3 =	stileid.u32;
	s16 =	simm.s32 $0x2  }
0x4: {  	s17 =	simm.s32 $0x320;
	s18 =	simm.s32 $0x380;
	s19 =	simm.s32 $0x700  }
0x5: {  	s20 =	simm.s32 $0xA80;
	s21 =	simm.s32 $0xE00;
	s22 =	simm.s32 $0x1180  }
0x6: {  	s23 =	simm.s32 $0x1;
	s24 =	simm.s32 $0x1500;
	s25 =	simm.s32 $0x1880  }
0x7: {  	[smem:$0x7FF] =	sst s6;
	s8 =	sadd.s32 $0xC4000, s0;
	s1 =	sand.u32 $0x1, s1  }
0x8: {  	s9 =	sadd.s32 $0xA00, s0;
	s10 =	sadd.s32 $0x1E9200, s0;
	s2 =	ssub.s32 $0x2, s1  }
0x9: {  	s11 =	sadd.s32 $0x24AE00, s0;
	s3 =	sshll.u32 s3, $0x1;
	s7 =	sshrl.u32 s2, $0x1  }
0xa: {  	s12 =	sadd.s32 $0x2ACA00, s0;
	s13 =	sadd.s32 $0x187600, s0;
	s31 =	ssub.s32 s2, s7  }
0xb: {  	_ =	strace $0x80000047;
	s1 =	sor.u32 s1, s3;
	s0 =	smax.u32 s31, $0x1  }
0xc: {  	v0 =	vimm.s32 $0x0;
	s14 =	smul.u32 $0x186A0, s1;
	s1 =	simm.s32 $0x0;
	[dreg:$0x7] =	wrdreg s0  }
.LBB2_1:
0xd: {  	[dreg:$0x8] =	wrdreg s1;
	s28 =	simm.s32 $0x0  }
.LBB2_2:
0xe: {  	s0 =	smul.u32 $0x320, s28;
	_ =	sdelay $0x1  }
0xf: {  	s0 =	sadd.s32 s14, s0  }
0x10: {  	s31 =	rddreg [dreg:$0x3];
	s29 =	sshrl.u32 s0, $0x3  }
0x11: {  	s1 =	simm.s32 $0x0;
	s0 =	sadd.s32 s31, s29  }
0x12: {  	[tilespmem:s1], [sflag:$0x2] =	stream.linear.gather [hbm4b:s0+s1], $0x320, $0x38;
	[tilespmem:$0x1C00] =	vst v63  }
0x13: {  	_ =	swait.ge [sflag:s16], $0x320  }
0x14: {  	[sflag:s16] =	ssyncset.done $0x0  }
0x15: {  	s0 =	simm.s32 $0x0;
	[sflag:s16] =	ssyncadd.s32 $0xFFFFFCE0  }
0x16: {  	v1 =	vld [tilespmem:s0+$0x0]  }
0x17: {  	s1 =	simm.s32 $0x40  }
.LBB2_3:
0x18: {  	p0 =	sne.s32 s1, $0xC40  }
.Ltmp0:
0x19: {  	_ = 	snop;
	(pc) =	sbr.rel @p0 .LBB2_3-.Ltmp0, $4  }
0x1a: {  	_ = 	snop  }
0x1b: {  	s2 =	sshra.s32 s1, $0x2;
	s1 =	sadd.s32 $0x40, s1;
	vm0 =	vlt.s32 v1, $0x61A7FF  }
0x1c: {  	v2 =	vnsel vm0, $0x61A7FF, v1;
	v1 =	vld [tilespmem:s2+$0x0]  }
0x1d: {  	[tilespmem:s0+$0x380] =	vst v2;
	s0 =	smov.u32 s2  }
0x1e: {  	_ =	sdelay $0x2  }
0x1f: {  	vm0 =	vlt.s32 v1, $0x61A7FF  }
0x20: {  	v1 =	vnsel vm0, $0x61A7FF, v1  }
0x21: {  	[tilespmem:s0+$0x380] =	vst v1  }
0x22: {  	[tilespmem:s19], [sflag:$0x1] =	stream.indirect.gather [hbm4b:s8+s17], $0x1, s18, s17, $0xb8;
	[tilespmem:$0x1C00] =	vst v63  }
0x23: {  	_ = 	snop  }
0x24: {  	[tilespmem:s20], [sflag:$0x1] =	stream.indirect.gather [hbm4b:s9+s17], $0x1, s18, s17, $0xb8;
	[tilespmem:$0x1C00] =	vst v63  }
0x25: {  	s15 =	rddreg [dreg:$0x1]  }
0x26: {  	[tilespmem:s21], [sflag:$0x1] =	stream.indirect.gather [hbm4b:s15+s17], $0x1, s18, s17, $0xb8;
	[tilespmem:$0x1C00] =	vst v63  }
0x27: {  	s26 =	rddreg [dreg:$0x2]  }
0x28: {  	[tilespmem:s22], [sflag:$0x1] =	stream.indirect.gather [hbm4b:s26+s17], $0x1, s18, s17, $0xb8;
	[tilespmem:$0x1C00] =	vst v63  }
0x29: {  	_ =	swait.ge [sflag:s23], $0x320  }
0x2a: {  	[sflag:s23] =	ssyncset.done $0x0  }
0x2b: {  	[sflag:s23] =	ssyncadd.s32 $0xFFFFFCE0  }
0x2c: {  	_ =	swait.ge [sflag:s23], $0x320  }
0x2d: {  	[sflag:s23] =	ssyncset.done $0x0  }
0x2e: {  	[sflag:s23] =	ssyncadd.s32 $0xFFFFFCE0  }
0x2f: {  	_ =	swait.ge [sflag:s23], $0x320  }
0x30: {  	[sflag:s23] =	ssyncset.done $0x0  }
0x31: {  	[sflag:s23] =	ssyncadd.s32 $0xFFFFFCE0  }
0x32: {  	_ =	swait.ge [sflag:s23], $0x320  }
0x33: {  	[sflag:s23] =	ssyncset.done $0x0  }
0x34: {  	s15 =	simm.s32 $0x0;
	[sflag:s23] =	ssyncadd.s32 $0xFFFFFCE0  }
0x35: {  	v1 =	vld [tilespmem:s15+$0x0];
	_ =	sdelay $0x1  }
0x36: {  	v2 =	vld [tilespmem:s15+$0x1180]  }
0x37: {  	v3 =	vld [tilespmem:s15+$0x700]  }
0x38: {  	v4 =	vld [tilespmem:s15+$0xA80]  }
0x39: {  	vm0 =	vlt.s32 v1, $0x61A800;
	v1 =	vld [tilespmem:s15+$0xE00];
	_ =	sdelay $0x1  }
0x3a: {  	v2 =	vnsel vm0, $0x40A00000, v2  }
0x3b: {  	s0 =	simm.s32 $0x10;
	v3 =	vnsel vm0, $0x40A00000, v3;
	[tilespmem:s15+$0x1180] =	vst v2  }
0x3c: {  	v5 =	vld [tilespmem:s0+$0x0];
	[tilespmem:s15+$0x700] =	vst v3;
	v3 =	vnsel vm0, $0x40A00000, v4  }
0x3d: {  	v4 =	vld [tilespmem:s0+$0x1180];
	[tilespmem:s15+$0xA80] =	vst v3;
	v1 =	vnsel vm0, $0x40A00000, v1  }
0x3e: {  	v3 =	vld [tilespmem:s0+$0x700];
	vm0 =	vlt.f32 v2, $5.000000000e+00;
	v2 =	vmul.f32 $2.000000030e-01, v2;
	[tilespmem:s15+$0xE00] =	vst v1  }
0x3f: {  	v1 =	vld [tilespmem:s0+$0xA80]  }
0x40: {  	v2 =	vadd.f32 $-5.000000000e-01, v2  }
0x41: {  	v6 =	vsel vm0, $0x1, v0;
	vm1 =	vlt.s32 v5, $0x61A800  }
0x42: {  	v7 =	vld [tilespmem:s0+$0xE00];
	[tilespmem:s15+$0x1880] =	vst v6;
	v4 =	vnsel vm1, $0x40A00000, v4;
	v2 =	vmul.f32 $3.141592740e+00, v2  }
0x43: {  	s31 =	simm.s32 $0x20;
	[tilespmem:s0+$0x1180] =	vst v4;
	v3 =	vnsel vm1, $0x40A00000, v3  }
0x44: {  	v5 =	vld [tilespmem:s31+$0x0];
	[tilespmem:s0+$0x700] =	vst v3;
	v10 =	vmul.f32 v2, v2;
	v1 =	vnsel vm1, $0x40A00000, v1  }
0x45: {  	v6 =	vld [tilespmem:s31+$0x1180];
	[tilespmem:s0+$0xA80] =	vst v1;
	v1 =	vmul.f32 $2.000000030e-01, v4  }
0x46: {  	v8 =	vmul.f32 $1.377865940e-06, v10  }
0x47: {  	v3 =	vnsel vm1, $0x40A00000, v7;
	v1 =	vadd.f32 $-5.000000000e-01, v1  }
0x48: {  	vm1 =	vlt.f32 v4, $5.000000000e+00;
	v7 =	vld [tilespmem:s31+$0x700];
	[tilespmem:s0+$0xE00] =	vst v3;
	v4 =	vadd.f32 $-9.920635050e-05, v8  }
0x49: {  	v9 =	vld [tilespmem:s31+$0xA80];
	v3 =	vmul.f32 $3.141592740e+00, v1  }
0x4a: {  	v8 =	vsel vm1, $0x1, v0;
	v11 =	vld [tilespmem:s31+$0xE00];
	vm2 =	vlt.s32 v5, $0x61A800;
	v5 =	vmul.f32 v4, v10  }
0x4b: {  	[tilespmem:s0+$0x1880] =	vst v8;
	v1 =	vnsel vm2, $0x40A00000, v6;
	v4 =	vmul.f32 v3, v3  }
0x4c: {  	s30 =	simm.s32 $0x30;
	[tilespmem:s31+$0x1180] =	vst v1;
	v5 =	vadd.f32 $4.166666880e-03, v5  }
0x4d: {  	v6 =	vnsel vm2, $0x40A00000, v7;
	v12 =	vld [tilespmem:s30+$0x0];
	v7 =	vmul.f32 $2.000000030e-01, v1;
	v8 =	vmul.f32 $1.377865940e-06, v4  }
0x4e: {  	vm0 =	vmmov vm0;
	[tilespmem:s31+$0x700] =	vst v6;
	v9 =	vnsel vm2, $0x40A00000, v9;
	v5 =	vmul.f32 v5, v10  }
0x4f: {  	v6 =	vld [tilespmem:s30+$0x1180];
	[tilespmem:s31+$0xA80] =	vst v9;
	v13 =	vadd.f32 $-5.000000000e-01, v7;
	v9 =	vnsel vm2, $0x40A00000, v11;
	v8 =	vadd.f32 $-9.920635050e-05, v8  }
0x50: {  	vm2 =	vmmov vm0;
	vm0 =	vmmov vm1;
	vm1 =	vlt.f32 v1, $5.000000000e+00  }
0x51: {  	v7 =	vld [tilespmem:s30+$0x700];
	[tilespmem:s31+$0xE00] =	vst v9;
	v5 =	vadd.f32 $-8.333333580e-02, v5;
	v1 =	vmul.f32 $3.141592740e+00, v13;
	v63 =	vmul.f32 v8, v4  }
0x52: {  	s2 =	simm.s32 $0x140;
	s1 =	simm.s32 $0x180;
	v14 =	vsel vm1, $0x1, v0;
	vm3 =	vmmov vm2;
	v9 =	vld [tilespmem:s30+$0xA80];
	vm2 =	vlt.s32 v12, $0x61A800  }
0x53: {  	s3 =	simm.s32 $0x100;
	s7 =	simm.s32 $0x200;
	s26 =	simm.s32 $0x1C0;
	v8 =	vld [tilespmem:s30+$0xE00];
	v11 =	vmul.f32 v5, v10;
	[tilespmem:s31+$0x1880] =	vst v14;
	v5 =	vmul.f32 v1, v1;
	v10 =	vadd.f32 $4.166666880e-03, v63  }
.LBB2_5:
0x54: {  	v12 =	vnsel vm2, $0x40A00000, v6  }
0x55: {  	p0 =	sne.s32 s7, $0xC40;
	v6 =	vadd.f32 $5.000000000e-01, v11;
	vm4 =	vmmov vm0;
	vm0 =	vmmov vm1;
	s4 =	smov.u32 s31;
	s31 =	smov.u32 s30  }
0x56: {  	s30 =	sshra.s32 s3, $0x2;
	s3 =	smov.u32 s2;
	s2 =	smov.u32 s1;
	v11 =	vmul.f32 $2.000000030e-01, v12;
	[tilespmem:s31+$0x1180] =	vst v12;
	v7 =	vnsel vm2, $0x40A00000, v7;
	v13 =	vmul.f32 $1.377865940e-06, v5  }
0x57: {  	s1 =	smov.u32 s26;
	s26 =	smov.u32 s7;
	v14 =	vld [tilespmem:s30+$0x0];
	[tilespmem:s31+$0x700] =	vst v7;
	v7 =	vnsel vm2, $0x40A00000, v9;
	v9 =	vmul.f32 v10, v4;
	v10 =	vmul.f32 v6, v2;
	v2 =	vmovc v3  }
0x58: {  	v6 =	vld [tilespmem:s30+$0x1180]  }
.Ltmp1:
0x59: {  	v11 =	vadd.f32 $-5.000000000e-01, v11;
	[tilespmem:s31+$0xA80] =	vst v7;
	v15 =	vnsel vm2, $0x40A00000, v8;
	v8 =	vadd.f32 $-9.920635050e-05, v13;
	(pc) =	sbr.rel @p0 .LBB2_5-.Ltmp1, $4  }
0x5a: {  	vm1 =	vlt.f32 v12, $5.000000000e+00;
	v3 =	vmovc v1;
	v7 =	vld [tilespmem:s30+$0x700];
	[tilespmem:s31+$0xE00] =	vst v15;
	v12 =	vadd.f32 $-8.333333580e-02, v9;
	v10 =	vsub.f32 $5.000000000e-01, v10  }
0x5b: {  	v9 =	vld [tilespmem:s30+$0xA80];
	v1 =	vmul.f32 $3.141592740e+00, v11;
	v11 =	vsel vm1, $0x1, v0;
	v13 =	vmul.f32 v8, v5  }
0x5c: {  	v8 =	vld [tilespmem:s30+$0xE00];
	[tilespmem:s31+$0x1880] =	vst v11;
	v11 =	vmul.f32 v12, v4;
	v12 =	vnsel vm3, $0x0, v10;
	v4 =	vmovc v5;
	vm3 =	vmmov vm4  }
0x5d: {  	s7 =	sadd.s32 $0x40, s7;
	vm2 =	vlt.s32 v14, $0x61A800;
	v5 =	vmul.f32 v1, v1;
	v10 =	vadd.f32 $4.166666880e-03, v13;
	[tilespmem:s15+$0x1500] =	vst v12;
	s15 =	smov.u32 s0;
	s0 =	smov.u32 s4  }
0x5e: {  	v6 =	vnsel vm2, $0x40A00000, v6  }
0x5f: {  	s7 =	sshra.s32 s3, $0x2;
	v21 =	vadd.f32 $5.000000000e-01, v11;
	[tilespmem:s30+$0x1180] =	vst v6;
	v7 =	vnsel vm2, $0x40A00000, v7  }
0x60: {  	v25 =	vmul.f32 v10, v4;
	v12 =	vld [tilespmem:s7+$0x0];
	[tilespmem:s30+$0x700] =	vst v7;
	v9 =	vnsel vm2, $0x40A00000, v9  }
0x61: {  	v27 =	vmul.f32 $1.377865940e-06, v5;
	v2 =	vmul.f32 v21, v2;
	v22 =	vld [tilespmem:s7+$0x1180];
	[tilespmem:s30+$0xA80] =	vst v9;
	v23 =	vnsel vm2, $0x40A00000, v8  }
0x62: {  	v9 =	vadd.f32 $-8.333333580e-02, v25;
	v24 =	vld [tilespmem:s7+$0x700];
	[tilespmem:s30+$0xE00] =	vst v23  }
0x63: {  	vm9 =	vlt.f32 v6, $5.000000000e+00;
	v10 =	vadd.f32 $-9.920635050e-05, v27;
	v2 =	vsub.f32 $5.000000000e-01, v2;
	v7 =	vld [tilespmem:s7+$0xA80]  }
0x64: {  	v26 =	vsel vm9, $0x1, v0;
	v13 =	vld [tilespmem:s7+$0xE00];
	v28 =	vmul.f32 v9, v4  }
0x65: {  	[tilespmem:s30+$0x1880] =	vst v26;
	v10 =	vmul.f32 v10, v5;
	v2 =	vnsel vm3, $0x0, v2;
	vm10 =	vlt.s32 v12, $0x61A800  }
0x66: {  	[tilespmem:s15+$0x1500] =	vst v2;
	v2 =	vnsel vm10, $0x40A00000, v22  }
0x67: {  	s4 =	sshra.s32 s2, $0x2;
	v4 =	vadd.f32 $5.000000000e-01, v28;
	v10 =	vadd.f32 $4.166666880e-03, v10;
	[tilespmem:s7+$0x1180] =	vst v2;
	v8 =	vnsel vm10, $0x40A00000, v24  }
0x68: {  	v29 =	vld [tilespmem:s4+$0x0];
	[tilespmem:s7+$0x700] =	vst v8;
	v7 =	vnsel vm10, $0x40A00000, v7  }
0x69: {  	v3 =	vmul.f32 v4, v3;
	v10 =	vmul.f32 v10, v5;
	v30 =	vnsel vm10, $0x40A00000, v13;
	v8 =	vld [tilespmem:s4+$0x1180];
	[tilespmem:s7+$0xA80] =	vst v7  }
0x6a: {  	vm11 =	vmmov vm0;
	v7 =	vld [tilespmem:s4+$0x700];
	[tilespmem:s7+$0xE00] =	vst v30  }
0x6b: {  	vm12 =	vlt.f32 v2, $5.000000000e+00;
	v3 =	vsub.f32 $5.000000000e-01, v3;
	v33 =	vadd.f32 $-8.333333580e-02, v10;
	v4 =	vld [tilespmem:s4+$0xA80]  }
0x6c: {  	vm3 =	vmmov vm11;
	v31 =	vsel vm12, $0x1, v0  }
0x6d: {  	v32 =	vld [tilespmem:s4+$0xE00];
	[tilespmem:s7+$0x1880] =	vst v31;
	v3 =	vnsel vm3, $0x0, v3;
	v34 =	vmul.f32 v33, v5;
	vm13 =	vlt.s32 v29, $0x61A800  }
0x6e: {  	[tilespmem:s0+$0x1500] =	vst v3;
	v3 =	vnsel vm13, $0x40A00000, v8  }
0x6f: {  	s2 =	sshra.s32 s1, $0x2;
	v5 =	vadd.f32 $5.000000000e-01, v34;
	[tilespmem:s4+$0x1180] =	vst v3;
	v7 =	vnsel vm13, $0x40A00000, v7  }
0x70: {  	v6 =	vmul.f32 $2.000000030e-01, v6;
	v35 =	vld [tilespmem:s2+$0x0];
	[tilespmem:s4+$0x700] =	vst v7;
	v4 =	vnsel vm13, $0x40A00000, v4  }
0x71: {  	v1 =	vmul.f32 v5, v1;
	v7 =	vld [tilespmem:s2+$0x1180];
	[tilespmem:s4+$0xA80] =	vst v4  }
0x72: {  	vm1 =	vmmov vm1;
	v6 =	vadd.f32 $-5.000000000e-01, v6;
	v36 =	vnsel vm13, $0x40A00000, v32;
	v37 =	vld [tilespmem:s2+$0x700]  }
0x73: {  	vm14 =	vmmov vm1;
	vm15 =	vlt.f32 v3, $5.000000000e+00;
	v1 =	vsub.f32 $5.000000000e-01, v1;
	[tilespmem:s4+$0xE00] =	vst v36  }
0x74: {  	v6 =	vmul.f32 $3.141592740e+00, v6;
	vm3 =	vmmov vm14;
	v38 =	vsel vm15, $0x1, v0;
	v4 =	vld [tilespmem:s2+$0xA80]  }
0x75: {  	v2 =	vmul.f32 $2.000000030e-01, v2;
	v39 =	vld [tilespmem:s2+$0xE00];
	[tilespmem:s4+$0x1880] =	vst v38;
	v1 =	vnsel vm3, $0x0, v1;
	vm4 =	vlt.s32 v35, $0x61A800  }
0x76: {  	v40 =	vmul.f32 v6, v6;
	[tilespmem:s31+$0x1500] =	vst v1;
	v1 =	vnsel vm4, $0x40A00000, v7  }
0x77: {  	s3 =	sshra.s32 s26, $0x2;
	v2 =	vadd.f32 $-5.000000000e-01, v2;
	[tilespmem:s2+$0x1180] =	vst v1;
	v5 =	vnsel vm4, $0x40A00000, v37  }
0x78: {  	v41 =	vmul.f32 $1.377865940e-06, v40;
	v42 =	vld [tilespmem:s3+$0x0];
	[tilespmem:s2+$0x700] =	vst v5  }
0x79: {  	v2 =	vmul.f32 $3.141592740e+00, v2;
	v5 =	vld [tilespmem:s3+$0x1180]  }
0x7a: {  	v7 =	vadd.f32 $-9.920635050e-05, v41  }
0x7b: {  	v43 =	vmul.f32 v2, v2;
	v3 =	vmul.f32 $2.000000030e-01, v3  }
0x7c: {  	v7 =	vmul.f32 v7, v40  }
0x7d: {  	v44 =	vmul.f32 $1.377865940e-06, v43;
	v3 =	vadd.f32 $-5.000000000e-01, v3;
	vm7 =	vlt.s32 v42, $0x61A800  }
0x7e: {  	v45 =	vmul.f32 $2.000000030e-01, v1;
	v7 =	vadd.f32 $4.166666880e-03, v7;
	v5 =	vnsel vm7, $0x40A00000, v5  }
0x7f: {  	v3 =	vmul.f32 $3.141592740e+00, v3;
	v46 =	vmul.f32 $2.000000030e-01, v5  }
0x80: {  	v12 =	vadd.f32 $-9.920635050e-05, v44;
	v8 =	vadd.f32 $-5.000000000e-01, v45;
	v7 =	vmul.f32 v7, v40  }
0x81: {  	vm2 =	vmmov vm9;
	v14 =	vmul.f32 v3, v3;
	v13 =	vadd.f32 $-5.000000000e-01, v46  }
0x82: {  	v12 =	vmul.f32 v12, v43;
	v8 =	vmul.f32 $3.141592740e+00, v8;
	v7 =	vadd.f32 $-8.333333580e-02, v7  }
0x83: {  	vm2 =	vmmov vm2;
	v48 =	vmul.f32 $1.377865940e-06, v14;
	v13 =	vmul.f32 $3.141592740e+00, v13  }
0x84: {  	vm2 =	vmmov vm2;
	v15 =	vmul.f32 v8, v8;
	v7 =	vmul.f32 v7, v40  }
0x85: {  	v47 =	vadd.f32 $4.166666880e-03, v12;
	v12 =	vadd.f32 $-9.920635050e-05, v48;
	v16 =	vmul.f32 v13, v13  }
0x86: {  	vm0 =	vmmov vm12;
	v49 =	vmul.f32 $1.377865940e-06, v15;
	v7 =	vadd.f32 $5.000000000e-01, v7  }
0x87: {  	vm0 =	vmmov vm0;
	v12 =	vmul.f32 v12, v14;
	v17 =	vmul.f32 $1.377865940e-06, v16  }
0x88: {  	vm0 =	vmmov vm0;
	v6 =	vmul.f32 v7, v6;
	v7 =	vadd.f32 $-9.920635050e-05, v49  }
0x89: {  	vm1 =	vmmov vm15;
	v12 =	vadd.f32 $4.166666880e-03, v12;
	v17 =	vadd.f32 $-9.920635050e-05, v17  }
0x8a: {  	v11 =	vmul.f32 v47, v43;
	v4 =	vnsel vm4, $0x40A00000, v4;
	v7 =	vmul.f32 v7, v15  }
0x8b: {  	vm1 =	vmmov vm1;
	[tilespmem:s2+$0xA80] =	vst v4;
	v53 =	vmul.f32 v12, v14;
	v54 =	vmul.f32 v17, v16  }
0x8c: {  	v10 =	vnsel vm4, $0x40A00000, v39;
	v11 =	vadd.f32 $-8.333333580e-02, v11;
	v52 =	vld [tilespmem:s3+$0x700];
	v7 =	vadd.f32 $4.166666880e-03, v7  }
0x8d: {  	vm10 =	vmmov vm1;
	[tilespmem:s2+$0xE00] =	vst v10;
	v55 =	vadd.f32 $-8.333333580e-02, v53;
	v56 =	vadd.f32 $4.166666880e-03, v54  }
0x8e: {  	vm8 =	vlt.f32 v1, $5.000000000e+00;
	v51 =	vmul.f32 v11, v43;
	v1 =	vld [tilespmem:s3+$0xA80];
	v7 =	vmul.f32 v7, v15  }
0x8f: {  	v10 =	vmul.f32 v55, v14;
	v50 =	vsub.f32 $5.000000000e-01, v6;
	v11 =	vmul.f32 v56, v16  }
0x90: {  	v58 =	vsel vm8, $0x1, v0;
	v57 =	vld [tilespmem:s3+$0xE00];
	v6 =	vadd.f32 $5.000000000e-01, v51;
	v7 =	vadd.f32 $-8.333333580e-02, v7  }
0x91: {  	v9 =	vnsel vm7, $0x40A00000, v52;
	v10 =	vadd.f32 $5.000000000e-01, v10;
	v11 =	vadd.f32 $-8.333333580e-02, v11  }
0x92: {  	[tilespmem:s2+$0x1880] =	vst v58;
	v4 =	vnsel vm2, $0x0, v50;
	v2 =	vmul.f32 v6, v2;
	v7 =	vmul.f32 v7, v15  }
0x93: {  	vm9 =	vlt.f32 v5, $5.000000000e+00;
	v1 =	vnsel vm7, $0x40A00000, v1;
	[tilespmem:s30+$0x1500] =	vst v4;
	v60 =	vmul.f32 v11, v16  }
0x94: {  	v3 =	vmul.f32 v10, v3;
	[tilespmem:s3+$0x1180] =	vst v5;
	v2 =	vsub.f32 $5.000000000e-01, v2;
	v61 =	vadd.f32 $5.000000000e-01, v7  }
0x95: {  	v59 =	vnsel vm7, $0x40A00000, v57;
	v62 =	vsel vm9, $0x1, v0;
	[tilespmem:s3+$0x700] =	vst v9;
	v6 =	vadd.f32 $5.000000000e-01, v60  }
0x96: {  	[tilespmem:s3+$0xA80] =	vst v1;
	v1 =	vnsel vm0, $0x0, v2;
	v2 =	vsub.f32 $5.000000000e-01, v3;
	v3 =	vmul.f32 v61, v8  }
0x97: {  	vm12 =	vmmov vm9;
	vm2 =	vmmov vm8;
	[tilespmem:s3+$0xE00] =	vst v59;
	v63 =	vmul.f32 v6, v13  }
0x98: {  	vm14 =	vmmov vm12;
	vm11 =	vmmov vm2;
	[tilespmem:s3+$0x1880] =	vst v62;
	v3 =	vsub.f32 $5.000000000e-01, v3  }
0x99: {  	vm13 =	vmmov vm11;
	[tilespmem:s7+$0x1500] =	vst v1;
	v2 =	vnsel vm10, $0x0, v2;
	v1 =	vsub.f32 $5.000000000e-01, v63  }
0x9a: {  	vm15 =	vmmov vm14;
	[tilespmem:s4+$0x1500] =	vst v2;
	v2 =	vnsel vm13, $0x0, v3  }
0x9b: {  	[tilespmem:s2+$0x1500] =	vst v2;
	v1 =	vnsel vm15, $0x0, v1  }
0x9c: {  	s4 =	sadd.s32 s10, s29;
	[tilespmem:s3+$0x1500] =	vst v1  }
0x9d: {  	[hbm4b:s4+s6] =	stream.linear.scatter [tilespmem:s19], [sflag:$0x2], $0x320, $0x38;
	[tilespmem:$0x1C00] =	vst v63  }
0x9e: {  	_ =	swait.ge [sflag:s16], $0x320  }
0x9f: {  	[sflag:s16] =	ssyncset.done $0x0  }
0xa0: {  	s7 =	sadd.s32 s11, s29;
	[sflag:s16] =	ssyncadd.s32 $0xFFFFFCE0  }
0xa1: {  	[hbm4b:s7+s6] =	stream.linear.scatter [tilespmem:s20], [sflag:$0x2], $0x320, $0x38;
	[tilespmem:$0x1C00] =	vst v63  }
0xa2: {  	_ =	swait.ge [sflag:s16], $0x320  }
0xa3: {  	[sflag:s16] =	ssyncset.done $0x0  }
0xa4: {  	s15 =	sadd.s32 s12, s29;
	[sflag:s16] =	ssyncadd.s32 $0xFFFFFCE0  }
0xa5: {  	[hbm4b:s15+s6] =	stream.linear.scatter [tilespmem:s21], [sflag:$0x2], $0x320, $0x38;
	[tilespmem:$0x1C00] =	vst v63  }
0xa6: {  	_ =	swait.ge [sflag:s16], $0x320  }
0xa7: {  	[sflag:s16] =	ssyncset.done $0x0  }
0xa8: {  	[sflag:s16] =	ssyncadd.s32 $0xFFFFFCE0  }
0xa9: {  	s26 =	rddreg [dreg:$0x4]  }
0xaa: {  	s0 =	sadd.s32 s26, s29  }
0xab: {  	[hbm4b:s0+s6] =	stream.linear.scatter [tilespmem:s22], [sflag:$0x2], $0x320, $0x38;
	[tilespmem:$0x1C00] =	vst v63  }
0xac: {  	_ =	swait.ge [sflag:s16], $0x320  }
0xad: {  	[sflag:s16] =	ssyncset.done $0x0  }
0xae: {  	s30 =	sadd.s32 s5, s29;
	[sflag:s16] =	ssyncadd.s32 $0xFFFFFCE0  }
0xaf: {  	[hbm4b:s30+s6] =	stream.linear.scatter [tilespmem:s24], [sflag:$0x2], $0x320, $0x38;
	[tilespmem:$0x1C00] =	vst v63  }
0xb0: {  	s28 =	sadd.s32 $0x1, s28;
	_ =	swait.ge [sflag:s16], $0x320  }
0xb1: {  	p0 =	sne.s32 s28, $0x7D;
	[sflag:s16] =	ssyncset.done $0x0  }
.Ltmp2:
0xb2: {  	s31 =	sadd.s32 s13, s29;
	[sflag:s16] =	ssyncadd.s32 $0xFFFFFCE0;
	(pc) =	sbr.rel @p0 .LBB2_2-.Ltmp2, $4  }
0xb3: {  	[hbm4b:s31+s6] =	stream.linear.scatter [tilespmem:s25], [sflag:$0x2], $0x320, $0x38;
	[tilespmem:$0x1C00] =	vst v63  }
0xb4: {  	_ =	swait.ge [sflag:s16], $0x320  }
0xb5: {  	[sflag:s16] =	ssyncset.done $0x0  }
0xb6: {  	[sflag:s16] =	ssyncadd.s32 $0xFFFFFCE0  }
0xb7: {  	s1 =	rddreg [dreg:$0x8]  }
0xb8: {  	s0 =	rddreg [dreg:$0x7];
	s1 =	sadd.s32 $0x1, s1  }
0xb9: {  	p0 =	sne.s32 s1, s0  }
.Ltmp3:
0xba: {  	_ = 	snop;
	(pc) =	sbr.rel @p0 .LBB2_1-.Ltmp3, $1  }
0xbb: {  	_ =	sdelay $0x3  }
0xbc: {  	_ =	sfence.sel $0x180000  }
0xbd: {  	[bflag:$0x0] =	sbarrier.arrive $0xFFFF  }
0xbe: {  	_ =	strace $0x90000047  }
0xbf: {  	s0 =	stileid.u32;
	[bflag:$0x2] =	sbarrier.arrive $0xFFFF  }
0xc0: {  	p0 =	sne.s32 s0, $0x0;
	s0 =	rddreg [dreg:$0x6]  }
0xc1: {  	s0 =	sadd.s32 @!p0 $0x100000, s0  }
0xc2: {  	[sflag:s0] =	ssyncadd.tile.s32 @!p0 $0x1;
	_ =	shalt  }
.Lfunc_end2:
_tile_overlayer_lowered:
.L_overlay_start_2:
0xc3: {  	(tag) =	ssettag $0x2  }
0xc4: {  	s0 =	rddreg [dreg:$0x0];
	s2 =	stileid.u32  }
0xc5: {  	s1 =	rddreg [dreg:$0x1];
	p0 =	sne.s32 s2, $0x0  }
0xc6: {  	s3 =	rddreg [dreg:$0x2];
	[bflag:$0x3] =	sbarrier.arrive $0xFFFF;
	s2 =	simm.s32 @!p0 $0x1C02  }
0xc7: {  	[timem:s3], [sflag:s2] =	dma.local @!p0 [hbm:s0], s1  }
0xc8: {  	s0 =	simm.s32 @!p0 $0x2  }
0xc9: {  	_ =	swait.ge @!p0 [sflag:s0], s1  }
0xca: {  	s1 =	ssub.s32 @!p0 $0x0, s1;
	[sflag:s0] =	ssyncset.done @!p0 $0x0  }
0xcb: {  	[sflag:s0] =	ssyncadd.s32 @!p0 s1  }
0xcc: {  	[bflag:$0x3] =	sbarrier.arrive $0xFFFF  }
0xcd: {  	_ =	shalt  }

</sc_bundles>
